<compile_context>
chip_gen: v7x
topology: tpu7x:2x2x1
jax: 0.10.2.dev20260603
libtpu: 0.0.44.dev20260713+nightly
codegen_flags: <defaults>
</compile_context>

<pallas_src>
import functools

import jax
import jax.numpy as jnp
from jax import lax
from jax.experimental import pallas as pl
from jax.experimental.pallas import tpu as pltpu
from jax.experimental.pallas import tpu_sc as plsc

_B = 128
_U = 32768
_TC_ROWS = 96
_SC_ROWS = _B - _TC_ROWS
_TC_BLK = _TC_ROWS // 2

_NC = 2
_NS = 16
_NW = _NC * _NS
_CW = _U // _NW
_L = 16


def _tc_body(x_ref, m_ref, o_ref):
    o_ref[...] = jnp.where(m_ref[...] != 0, x_ref[...], jnp.float32(0))


@functools.partial(
    pl.kernel,
    mesh=plsc.VectorSubcoreMesh(core_axis_name="c", subcore_axis_name="s"),
    out_type=jax.ShapeDtypeStruct((_SC_ROWS, _U), jnp.float32),
    scratch_types=[
        pltpu.VMEM((_SC_ROWS, _CW), jnp.float32),
        pltpu.VMEM((_SC_ROWS, _CW), jnp.float32),
        pltpu.VMEM((_CW,), jnp.float32),
    ],
)
def _sc_mask(x_hbm, m_hbm, o_hbm, xv, ov, mv):
    wid = lax.axis_index("s") * _NC + lax.axis_index("c")
    c0 = wid * _CW
    pltpu.sync_copy(m_hbm.at[pl.ds(c0, _CW)], mv)
    pltpu.sync_copy(x_hbm.at[pl.ds(_TC_ROWS, _SC_ROWS), pl.ds(c0, _CW)], xv)

    def _row(r, carry):
        @plsc.parallel_loop(0, _CW // _L, 1, unroll=8)
        def _grp(g):
            sl = pl.ds(g * _L, _L)
            ov[r, sl] = jnp.where(mv[sl] != 0, xv[r, sl], jnp.float32(0))

        return carry

    lax.fori_loop(0, _SC_ROWS, _row, 0)
    pltpu.sync_copy(ov, o_hbm.at[:, pl.ds(c0, _CW)])


def kernel(inputs, mask):
    b, u = inputs.shape
    m2 = mask.reshape(1, u).astype(jnp.int8)
    top = pl.pallas_call(
        _tc_body,
        grid=(2,),
        in_specs=[
            pl.BlockSpec((_TC_BLK, u), lambda i: (i, 0)),
            pl.BlockSpec((1, u), lambda i: (0, 0)),
        ],
        out_specs=pl.BlockSpec((_TC_BLK, u), lambda i: (i, 0)),
        out_shape=jax.ShapeDtypeStruct((_TC_ROWS, u), inputs.dtype),
        compiler_params=pltpu.CompilerParams(
            dimension_semantics=("parallel",),
        ),
    )(inputs, m2)
    bot = _sc_mask(inputs, mask.astype(jnp.float32))
    return jnp.concatenate([top, bot], axis=0)

# --- scband reference (transcript-rebuilt; emitter-appended) ---
"""Pipeline reference for scband-input-mask-layer-9354438771389 (READ-ONLY COPY).

The authoritative reference and input builder live on the scoring server;
editing this copy changes nothing except your own understanding.
"""

import jax, jax.numpy as jnp
import numpy as np

UNITS = 32768
BATCH = 128

def setup_inputs(seed: int = 0) -> dict:
    key = jax.random.key(seed)
    k1, _ = jax.random.split(key)
    inputs = jax.random.normal(k1, (BATCH, UNITS), dtype=jnp.float32)
    # Layer's non-trainable mask variable, initialized to all-True as in __init__
    mask = jnp.ones((UNITS,), dtype=bool)
    return {"inputs": inputs, "mask": mask}

def reference(inputs, mask):
    # Faithful translation of tf.boolean_mask(inputs, self.mask, axis=1):
    # keep columns where mask is True (dynamic-shape gather along axis 1).
    # Fixed-shape masked equivalent: mask is always all-True, so the kept
    # columns are all columns and the output equals inputs exactly.
    return jnp.where(mask[None, :], inputs, jnp.zeros((), dtype=inputs.dtype))

if __name__ == "__main__":
    import jax
    _d = setup_inputs()
    print(jax.jit(kernel)(*tuple(_d.values())))

</pallas_src>

<mosaic_0001>
#map = affine_map<(d0, d1) -> (0, 0)>
#map1 = affine_map<(d0, d1) -> (0)>
module attributes {stable_mosaic.version = 14 : i64} {
  func.func @_sc_mask(%arg0: i32, %arg1: i32, %arg2: memref<128x32768xf32, #tpu.memory_space<hbm>>, %arg3: memref<32768xf32, #tpu.memory_space<hbm>>, %arg4: memref<32x32768xf32, #tpu.memory_space<hbm>>, %arg5: memref<32x1024xf32, #tpu.memory_space<vmem>>, %arg6: memref<32x1024xf32, #tpu.memory_space<vmem>>, %arg7: memref<1024xf32, #tpu.memory_space<vmem>>) attributes {dimension_semantics = [#tpu.dimension_semantics<core_parallel>, #tpu.dimension_semantics<subcore_parallel>], iteration_bounds = array<i64: 2, 16>, scalar_prefetch = 0 : i64, scratch_operands = 3 : i64, tpu.core_type = #tpu.core_type<sc_vector_subcore>, window_params = [{transform_indices = #map}, {transform_indices = #map1}, {transform_indices = #map}]} {
    %mul3A = arith.constant 2 : i32
    %mul3A_0 = arith.muli %arg1, %mul3A : i32
    %add3A = arith.addi %mul3A_0, %arg0 : i32
    %mul3A_1 = arith.constant 1024 : i32
    %mul3A_2 = arith.muli %add3A, %mul3A_1 : i32
    "tpu.region"() ({
      %run_scoped3A = tpu.sem_alloc : memref<!tpu.dma_semaphore, #tpu.memory_space<semaphore_mem>>
      %dma_start3A = tpu.memref_slice %arg3[%mul3A_2] : memref<32768xf32, #tpu.memory_space<hbm>> -> memref<1024xf32, #tpu.memory_space<hbm>>
      %dma_start3A_8 = tpu.memref_slice %arg3[%mul3A_2] : memref<32768xf32, #tpu.memory_space<hbm>> -> memref<1024xf32, #tpu.memory_space<hbm>>
      tpu.enqueue_dma source(%dma_start3A_8 : memref<1024xf32, #tpu.memory_space<hbm>>) target(%arg7 : memref<1024xf32, #tpu.memory_space<vmem>>) target_semaphore(%run_scoped3A : memref<!tpu.dma_semaphore, #tpu.memory_space<semaphore_mem>>)
      %dma_wait3A = tpu.memref_slice %arg3[%mul3A_2] : memref<32768xf32, #tpu.memory_space<hbm>> -> memref<1024xf32, #tpu.memory_space<hbm>>
      %dma_wait3A_9 = tpu.memref_slice %arg3[%mul3A_2] : memref<32768xf32, #tpu.memory_space<hbm>> -> memref<1024xf32, #tpu.memory_space<hbm>>
      tpu.wait_dma2 semaphore(%run_scoped3A : memref<!tpu.dma_semaphore, #tpu.memory_space<semaphore_mem>>) src(%dma_wait3A_9 : memref<1024xf32, #tpu.memory_space<hbm>>) dst(%arg7 : memref<1024xf32, #tpu.memory_space<vmem>>)
      tpu.yield
    }) : () -> ()
    "tpu.region"() ({
      %run_scoped3A = tpu.sem_alloc : memref<!tpu.dma_semaphore, #tpu.memory_space<semaphore_mem>>
      %dma_start3A = arith.constant 96 : i32
      %dma_start3A_8 = tpu.memref_slice %arg2[%dma_start3A, %mul3A_2] : memref<128x32768xf32, #tpu.memory_space<hbm>> -> memref<32x1024xf32, #tpu.memory_space<hbm>>
      %dma_start3A_9 = arith.constant 96 : i32
      %dma_start3A_10 = tpu.memref_slice %arg2[%dma_start3A_9, %mul3A_2] : memref<128x32768xf32, #tpu.memory_space<hbm>> -> memref<32x1024xf32, #tpu.memory_space<hbm>>
      tpu.enqueue_dma source(%dma_start3A_10 : memref<32x1024xf32, #tpu.memory_space<hbm>>) target(%arg5 : memref<32x1024xf32, #tpu.memory_space<vmem>>) target_semaphore(%run_scoped3A : memref<!tpu.dma_semaphore, #tpu.memory_space<semaphore_mem>>)
      %dma_wait3A = arith.constant 96 : i32
      %dma_wait3A_11 = tpu.memref_slice %arg2[%dma_wait3A, %mul3A_2] : memref<128x32768xf32, #tpu.memory_space<hbm>> -> memref<32x1024xf32, #tpu.memory_space<hbm>>
      %dma_wait3A_12 = arith.constant 96 : i32
      %dma_wait3A_13 = tpu.memref_slice %arg2[%dma_wait3A_12, %mul3A_2] : memref<128x32768xf32, #tpu.memory_space<hbm>> -> memref<32x1024xf32, #tpu.memory_space<hbm>>
      tpu.wait_dma2 semaphore(%run_scoped3A : memref<!tpu.dma_semaphore, #tpu.memory_space<semaphore_mem>>) src(%dma_wait3A_13 : memref<32x1024xf32, #tpu.memory_space<hbm>>) dst(%arg5 : memref<32x1024xf32, #tpu.memory_space<vmem>>)
      tpu.yield
    }) : () -> ()
    %scan3A = arith.constant 0 : i32
    %scan3A_3 = arith.constant 0 : i32
    %scan3A_4 = arith.constant 32 : i32
    %scan3A_5 = arith.addi %scan3A_3, %scan3A_4 : i32
    %scan3A_6 = arith.constant 1 : i32
    scf.for %scan3A_8 = %scan3A_3 to %scan3A_5 step %scan3A_6  : i32 {
      %parallel_loop3A = arith.constant 0 : i32
      %parallel_loop3A_9 = arith.constant 64 : i32
      %parallel_loop3A_10 = arith.constant 1 : i32
      scf.for %parallel_loop3A_11 = %parallel_loop3A to %parallel_loop3A_9 step %parallel_loop3A_10  : i32 {
        %parallel_loop3A_12 = arith.constant 16 : i32
        %parallel_loop3A_13 = arith.muli %parallel_loop3A_11, %parallel_loop3A_12 : i32
        %parallel_loop3A_14 = arith.index_cast %parallel_loop3A_13 : i32 to index
        %parallel_loop3A_15 = tpu.vector_load %arg7[%parallel_loop3A_14] {strides = array<i32>} : memref<1024xf32, #tpu.memory_space<vmem>>, vector<16xf32>,
        %parallel_loop3A_16 = vector.shape_cast %parallel_loop3A_15 : vector<16xf32> to vector<16xf32>
        %parallel_loop3A_17 = arith.constant 0.000000e+00 : f32
        %parallel_loop3A_18 = vector.broadcast %parallel_loop3A_17 : f32 to vector<16xf32>
        %parallel_loop3A_19 = arith.cmpf one, %parallel_loop3A_16, %parallel_loop3A_18 : vector<16xf32>
        %parallel_loop3A_20 = arith.index_cast %scan3A_8 : i32 to index
        %parallel_loop3A_21 = arith.index_cast %parallel_loop3A_13 : i32 to index
        %parallel_loop3A_22 = tpu.vector_load %arg5[%parallel_loop3A_20, %parallel_loop3A_21] {strides = array<i32>} : memref<32x1024xf32, #tpu.memory_space<vmem>>, vector<1x16xf32>,
        %parallel_loop3A_23 = vector.shape_cast %parallel_loop3A_22 : vector<1x16xf32> to vector<16xf32>
        %parallel_loop3A_24 = arith.constant 0.000000e+00 : f32
        %parallel_loop3A_25 = vector.broadcast %parallel_loop3A_24 : f32 to vector<16xf32>
        %parallel_loop3A_26 = arith.select %parallel_loop3A_19, %parallel_loop3A_23, %parallel_loop3A_25 : vector<16xi1>, vector<16xf32>
        %parallel_loop3A_27 = arith.index_cast %scan3A_8 : i32 to index
        %parallel_loop3A_28 = arith.index_cast %parallel_loop3A_13 : i32 to index
        %parallel_loop3A_29 = tpu.vector_load %arg6[%parallel_loop3A_27, %parallel_loop3A_28] {strides = array<i32>} : memref<32x1024xf32, #tpu.memory_space<vmem>>, vector<1x16xf32>,
        %parallel_loop3A_30 = vector.shape_cast %parallel_loop3A_29 : vector<1x16xf32> to vector<16xf32>
        %parallel_loop3A_31 = vector.shape_cast %parallel_loop3A_26 : vector<16xf32> to vector<1x16xf32>
        tpu.vector_store %arg6[%parallel_loop3A_27, %parallel_loop3A_28], %parallel_loop3A_31 {strides = array<i32>} : memref<32x1024xf32, #tpu.memory_space<vmem>>, vector<1x16xf32>,
      } {sc.loop_unroll_factor = 8 : i64, sc.parallel_access}
    }
    %scan3A_7 = arith.constant 32 : i32
    "tpu.region"() ({
      %run_scoped3A = tpu.sem_alloc : memref<!tpu.dma_semaphore, #tpu.memory_space<semaphore_mem>>
      %dma_start3A = arith.constant 0 : i32
      %dma_start3A_8 = tpu.memref_slice %arg4[%dma_start3A, %mul3A_2] : memref<32x32768xf32, #tpu.memory_space<hbm>> -> memref<32x1024xf32, #tpu.memory_space<hbm>>
      %dma_start3A_9 = arith.constant 0 : i32
      %dma_start3A_10 = tpu.memref_slice %arg4[%dma_start3A_9, %mul3A_2] : memref<32x32768xf32, #tpu.memory_space<hbm>> -> memref<32x1024xf32, #tpu.memory_space<hbm>>
      tpu.enqueue_dma source(%arg6 : memref<32x1024xf32, #tpu.memory_space<vmem>>) target(%dma_start3A_10 : memref<32x1024xf32, #tpu.memory_space<hbm>>) target_semaphore(%run_scoped3A : memref<!tpu.dma_semaphore, #tpu.memory_space<semaphore_mem>>)
      %dma_wait3A = arith.constant 0 : i32
      %dma_wait3A_11 = tpu.memref_slice %arg4[%dma_wait3A, %mul3A_2] : memref<32x32768xf32, #tpu.memory_space<hbm>> -> memref<32x1024xf32, #tpu.memory_space<hbm>>
      %dma_wait3A_12 = arith.constant 0 : i32
      %dma_wait3A_13 = tpu.memref_slice %arg4[%dma_wait3A_12, %mul3A_2] : memref<32x32768xf32, #tpu.memory_space<hbm>> -> memref<32x1024xf32, #tpu.memory_space<hbm>>
      tpu.wait_dma2 semaphore(%run_scoped3A : memref<!tpu.dma_semaphore, #tpu.memory_space<semaphore_mem>>) src(%arg6 : memref<32x1024xf32, #tpu.memory_space<vmem>>) dst(%dma_wait3A_13 : memref<32x1024xf32, #tpu.memory_space<hbm>>)
      tpu.yield
    }) : () -> ()
    return
  }
}

module attributes {stable_mosaic.version = 14 : i64} {
  func.func @_tc_body(%arg0: i32, %arg1: memref<48x32768xf32, #tpu.memory_space<vmem>>, %arg2: memref<1x32768xi8, #tpu.memory_space<vmem>>, %arg3: memref<48x32768xf32, #tpu.memory_space<vmem>>) attributes {dimension_semantics = [#tpu.dimension_semantics<parallel>], iteration_bounds = array<i64: 2>, scalar_prefetch = 0 : i64, scratch_operands = 0 : i64, tpu.core_type = #tpu.core_type<tc>, window_params = [{transform_indices = @transform_0, window_bounds = array<i64: 48, 32768>}, {pipeline_mode = #tpu.pipeline_mode<synchronous>, transform_indices = @transform_1, window_bounds = array<i64: 1, 32768>}, {transform_indices = @transform_2, window_bounds = array<i64: 48, 32768>}]} {
    %get3A = arith.constant 0 : index
    %get3A_0 = arith.constant 0 : index
    %get3A_1 = vector.load %arg2[%get3A, %get3A_0] : memref<1x32768xi8, #tpu.memory_space<vmem>>, vector<1x32768xi8>
    %ne3A = arith.constant 0 : i8
    %ne3A_2 = vector.broadcast %ne3A : i8 to vector<1x32768xi8>
    %ne3A_3 = arith.cmpi ne, %get3A_1, %ne3A_2 : vector<1x32768xi8>
    %get3A_4 = arith.constant 0 : index
    %get3A_5 = arith.constant 0 : index
    %get3A_6 = vector.load %arg1[%get3A_4, %get3A_5] : memref<48x32768xf32, #tpu.memory_space<vmem>>, vector<48x32768xf32>
    %jit3A = arith.constant 0.000000e+00 : f32
    %broadcast_in_dim3A = vector.shape_cast %ne3A_3 : vector<1x32768xi1> to vector<1x32768xi1>
    %broadcast_in_dim3A_7 = vector.broadcast %broadcast_in_dim3A : vector<1x32768xi1> to vector<48x32768xi1>
    %broadcast_in_dim3A_8 = vector.broadcast %jit3A : f32 to vector<48x32768xf32>
    %select_n3A = arith.select %broadcast_in_dim3A_7, %get3A_6, %broadcast_in_dim3A_8 : vector<48x32768xi1>, vector<48x32768xf32>
    %swap3A = arith.constant 0 : index
    %swap3A_9 = arith.constant 0 : index
    %swap3A_10 = vector.load %arg3[%swap3A, %swap3A_9] : memref<48x32768xf32, #tpu.memory_space<vmem>>, vector<48x32768xf32>
    tpu.vector_store %arg3[%swap3A, %swap3A_9], %select_n3A {strides = array<i32>} : memref<48x32768xf32, #tpu.memory_space<vmem>>, vector<48x32768xf32>,
    return
  }
  func.func @transform_0(%arg0: i32) -> (i32, i32) {
    %c0_i32 = arith.constant 0 : i32
    %c0_i32_0 = arith.constant 0 : i32
    return %arg0, %c0_i32 : i32, i32
  }
  func.func @transform_1(%arg0: i32) -> (i32, i32) {
    %c0_i32 = arith.constant 0 : i32
    %c0_i32_0 = arith.constant 0 : i32
    %c0_i32_1 = arith.constant 0 : i32
    return %c0_i32, %c0_i32_0 : i32, i32
  }
  func.func @transform_2(%arg0: i32) -> (i32, i32) {
    %c0_i32 = arith.constant 0 : i32
    %c0_i32_0 = arith.constant 0 : i32
    return %arg0, %c0_i32 : i32, i32
  }
}

</mosaic_0001>

<sc_bundles>
// kernel: kernel.4.cloned.1.call-start
scs
__scs_entry_jumppad:
0x0: {  	(pc) =	sbr.rel $0x88, $3  }
0x1: {  	(tag) =	ssettag $0x0;
	lr =	simm.s32 $0x1  }
0x2: {  	[smem:$0x3F9F] =	sst lr;
	_ =	strace $0xD0000000  }
0x3: {  	_ = 	snop  }
0x4: {  	_ = 	snop  }
0x5: {  	_ = 	snop  }
0x6: {  	_ = 	snop  }
0x7: {  	_ = 	snop  }
__scs_overlays_trampoline_lowered:
0x8: {  	[smem:$0x3FAE] =	sst s0  }
0x9: {  	[smem:$0x3FAF] =	sst s1  }
0xa: {  	[smem:$0x3FB0] =	sst s2  }
0xb: {  	[smem:$0x3FB1] =	sst s3  }
0xc: {  	[smem:$0x3FB2] =	sst s4  }
0xd: {  	[smem:$0x3FB3] =	sst s5  }
0xe: {  	[smem:$0x3FB4] =	sst s6  }
0xf: {  	[smem:$0x3FB5] =	sst s7  }
0x10: {  	[smem:$0x3FB6] =	sst s8  }
0x11: {  	[smem:$0x3FB7] =	sst s9;
	s0 =	simm.s32 @!p0 $0x0  }
0x12: {  	s1 =	sld [smem:$0x3F9D];
	s0 =	simm.s32 @p0 $0x1  }
0x13: {  	[smem:$0x3FB8] =	sst s0;
	s0 =	simm.s32 @!p1 $0x0  }
0x14: {  	s2 =	sld [smem:$0x3F9C];
	s0 =	simm.s32 @p1 $0x1  }
0x15: {  	[smem:$0x3FB9] =	sst s0;
	s0 =	simm.s32 @!p2 $0x0  }
0x16: {  	s3 =	sld [smem:$0x3FDB];
	s0 =	simm.s32 @p2 $0x1  }
0x17: {  	s4 =	simm.s32 $0x1BF5;
	[smem:$0x3FBB] =	sst s0  }
0x18: {  	s0 =	sld [smem:$0x3F9E];
	_ =	swait.ge [sflag:s4], $0x0  }
0x19: {  	s7 =	sld [smem:$0x3F9F]  }
0x1a: {  	s8 =	sadd.s32 $0xFFFFE003, lr  }
0x1b: {  	s9 =	sadd.s32 $0xFFFFFEF7, lr;
	s5 =	simm.s32 $0xFFFFFFFF;
	p2 =	slt.u32 s8, $0xFFFFF086  }
0x1c: {  	p1 =	slt.u32 s9, $0xF7A;
	s5 =	simm.s32 @!p2 $0x0  }
0x1d: {  	s5 =	simm.s32 @p1 $0x1;
	p0 =	seq.s32 s7, s2  }
0x1e: {  	s7 =	smul.u32 @!p0 $0xF7A, s2;
	p2 =	seq.s32 @!p0 s5, $0x0  }
0x1f: {  	s9 =	smul.u32 $0xF7A, s1;
	s8 =	simm.s32 @!p0 $0x1BF5;
	p2 =	por !p2, p0  }
0x20: {  	[sflag:s8] =	ssyncset.s32 @!p0 $0xFFFFF086;
	s6 =	sadd.s32 @!p0 s3, s7;
	s7 =	simm.s32 @!p0 $0x108  }
0x21: {  	s3 =	sadd.s32 s3, s9;
	s6 =	sadd.s32 @!p0 $0x88, s6;
	s7 =	simm.s32 @p2 $0x1082  }
0x22: {  	[simem:s7], [sflag:s8] =	dma.local @!p0 [hbm:s6], $0xF7A  }
0x23: {  	s9 =	sor.u32 $0xD0000000, s2;
	s6 =	simm.s32 $0x108;
	_ =	swait.ge @!p0 [sflag:s8], $0x0  }
0x24: {  	s3 =	sadd.s32 $0x88, s3;
	s6 =	simm.s32 @!p1 $0x1082;
	[sflag:s4] =	ssyncset.s32 $0xFFFFF086  }
0x25: {  	[simem:s6], [sflag:s4] =	dma.local [hbm:s3], $0xF7A  }
0x26: {  	[smem:$0x3F9F] =	sst s1;
	(tag) =	ssettag s2;
	_ =	strace s9  }
0x27: {  	s1 =	sld [smem:$0x3FAF]  }
0x28: {  	s2 =	sld [smem:$0x3FB0]  }
0x29: {  	s4 =	sld [smem:$0x3FB2]  }
0x2a: {  	p0 =	seq.s32 s5, $0x0;
	s5 =	sld [smem:$0x3FB3]  }
0x2b: {  	s6 =	sld [smem:$0x3FB4]  }
0x2c: {  	s7 =	sld [smem:$0x3FB5]  }
0x2d: {  	s3 =	simm.s32 $0x108;
	s8 =	sld [smem:$0x3FB6]  }
0x2e: {  	s3 =	simm.s32 @!p0 $0x1082;
	s9 =	sld [smem:$0x3FB7]  }
0x2f: {  	lr =	sadd.s32 s0, s3;
	s0 =	sld [smem:$0x3FAE]  }
0x30: {  	s3 =	sld [smem:$0x3FB1]  }
0x31: {  	[smem:$0x3FBA] =	sst s10  }
0x32: {  	s10 =	sld [smem:$0x3FB8];
	_ =	sdelay $0x3  }
0x33: {  	p0 =	seq.s32 s10, $0x1;
	s10 =	sld [smem:$0x3FBA];
	_ =	sdelay $0x3  }
0x34: {  	[smem:$0x3FBA] =	sst s10  }
0x35: {  	s10 =	sld [smem:$0x3FB9];
	_ =	sdelay $0x3  }
0x36: {  	p1 =	seq.s32 s10, $0x1;
	s10 =	sld [smem:$0x3FBA];
	_ =	sdelay $0x3  }
0x37: {  	[smem:$0x3FBA] =	sst s10  }
0x38: {  	s10 =	sld [smem:$0x3FBB]  }
0x39: {  	_ = 	snop;
	(pc) =	sbr.ind lr, $3  }
0x3a: {  	_ = 	snop  }
0x3b: {  	_ = 	snop  }
0x3c: {  	p2 =	seq.s32 s10, $0x1;
	s10 =	sld [smem:$0x3FBA]  }
0x3d: {  	_ =	shalt  }
0x3e: {  	_ =	shalt  }
0x3f: {  	_ =	shalt  }
0x40: {  	_ =	shalt  }
0x41: {  	_ =	shalt  }
0x42: {  	_ =	shalt  }
0x43: {  	_ =	shalt  }
0x44: {  	_ =	shalt  }
0x45: {  	_ =	shalt  }
0x46: {  	_ =	shalt  }
0x47: {  	_ =	shalt  }
0x48: {  	_ =	shalt  }
0x49: {  	_ =	shalt  }
0x4a: {  	_ =	shalt  }
0x4b: {  	_ =	shalt  }
0x4c: {  	_ =	shalt  }
0x4d: {  	_ =	shalt  }
0x4e: {  	_ =	shalt  }
0x4f: {  	_ =	shalt  }
0x50: {  	_ =	shalt  }
0x51: {  	_ =	shalt  }
0x52: {  	_ =	shalt  }
0x53: {  	_ =	shalt  }
0x54: {  	_ =	shalt  }
0x55: {  	_ =	shalt  }
0x56: {  	_ =	shalt  }
0x57: {  	_ =	shalt  }
0x58: {  	_ =	shalt  }
0x59: {  	_ =	shalt  }
0x5a: {  	_ =	shalt  }
0x5b: {  	_ =	shalt  }
0x5c: {  	_ =	shalt  }
0x5d: {  	_ =	shalt  }
0x5e: {  	_ =	shalt  }
0x5f: {  	_ =	shalt  }
0x60: {  	_ =	shalt  }
0x61: {  	_ =	shalt  }
0x62: {  	_ =	shalt  }
0x63: {  	_ =	shalt  }
0x64: {  	_ =	shalt  }
0x65: {  	_ =	shalt  }
0x66: {  	_ =	shalt  }
0x67: {  	_ =	shalt  }
0x68: {  	_ =	shalt  }
0x69: {  	_ =	shalt  }
0x6a: {  	_ =	shalt  }
0x6b: {  	_ =	shalt  }
0x6c: {  	_ =	shalt  }
0x6d: {  	_ =	shalt  }
0x6e: {  	_ =	shalt  }
0x6f: {  	_ =	shalt  }
0x70: {  	_ =	shalt  }
0x71: {  	_ =	shalt  }
0x72: {  	_ =	shalt  }
0x73: {  	_ =	shalt  }
0x74: {  	_ =	shalt  }
0x75: {  	_ =	shalt  }
0x76: {  	_ =	shalt  }
0x77: {  	_ =	shalt  }
0x78: {  	_ =	shalt  }
0x79: {  	_ =	shalt  }
0x7a: {  	_ =	shalt  }
0x7b: {  	_ =	shalt  }
0x7c: {  	_ =	shalt  }
0x7d: {  	_ =	shalt  }
0x7e: {  	_ =	shalt  }
0x7f: {  	_ =	shalt  }
0x80: {  	_ =	shalt  }
0x81: {  	_ =	shalt  }
0x82: {  	_ =	shalt  }
0x83: {  	_ =	shalt  }
0x84: {  	_ =	shalt  }
0x85: {  	_ =	shalt  }
0x86: {  	_ =	shalt  }
0x87: {  	_ =	shalt  }
.Lfunc_end0:
.L_simem_size_0:
called_computation_lowered:
.L_overlay_start_0:
0x88: {  	s2 =	sld [smem:$0x3FD9]  }
0x89: {  	s3 =	sld [smem:$0x3FFE];
	_ =	sdelay $0x1  }
0x8a: {  	s1 =	srdreg.scid  }
0x8b: {  	s0 =	sand.u32 $0x1, s1  }
0x8c: {  	s17 =	sshll.u32 s0, $0xA;
	s2 =	sadd.s32 s3, s2  }
0x8d: {  	s2 =	sadd.s32 s2, s17  }
0x8e: {  	[smem:$0x3FC6] =	sst s2  }
0x8f: {  	_ = 	snop  }
0x90: {  	s2 =	sld [smem:$0x3FC9]  }
0x91: {  	s18 =	sld [smem:$0x3FD0];
	(tm) =	ssettm $0x1  }
0x92: {  	s4 =	sld [smem:$0x3FFB];
	_ =	sdelay $0x3  }
0x93: {  	_ =	strace s4  }
0x94: {  	s4 =	sld [smem:$0x3FFC];
	_ =	sdelay $0x3  }
0x95: {  	_ =	strace s4  }
0x96: {  	s4 =	sld [smem:$0x3FFD];
	_ =	sdelay $0x3  }
0x97: {  	_ =	strace s4  }
0x98: {  	_ =	strace $0x8FFFFFFF  }
0x99: {  	s19 =	sld [smem:$0x3FDB];
	_ =	sdelay $0x1  }
0x9a: {  	s5 =	simm.s32 $_scs_section_size  }
0x9b: {  	s6 =	simm.s32 $_size__tile_overlayer_lowered;
	s7 =	simm.s32 $_tile_overlayer_lowered  }
0x9c: {  	s22 =	simm.s32 $0x1BFF;
	s21 =	sshll.u32 s7, $0x1;
	s4 =	sadd.s32 s5, s19  }
0x9d: {  	s8 =	simm.s32 $0x0;
	s20 =	sshll.u32 s6, $0x1;
	s6 =	sadd.s32 s21, s4  }
0x9e: {  	[timem:s8], [sflag:s22] =	dma.local [hbm:s6], s20  }
0x9f: {  	_ =	swait.ge [sflag:s22], s20  }
0xa0: {  	s5 =	ssub.s32 $0x0, s20;
	[sflag:s22] =	ssyncset.done $0x0  }
0xa1: {  	[sflag:s22] =	ssyncadd.s32 s5;
	_ =	sdelay $0x1  }
0xa2: {  	s23 =	simm.s32 $0x1B8B  }
0xa3: {  	_ =	swait.ge [sflag:s23], $0x1  }
0xa4: {  	[sflag:s23] =	ssyncset.done $0x0  }
0xa5: {  	s25 =	simm.s32 $0x1B8E;
	s24 =	sld [smem:$0x3FFE];
	[sflag:s23] =	ssyncadd.s32 $0xFFFFFFFF  }
0xa6: {  	s26 =	simm.s32 $execute0_lowered;
	[smem:$0x3FD2] =	sst s25  }
0xa7: {  	s6 =	sshll.u32 s26, $0x1;
	_ =	strace $0x80000046;
	[dreg:$0x1] =	wrdreg $0xFFFFFFFF  }
0xa8: {  	s28 =	simm.s32 $_size_execute0_lowered;
	s4 =	sadd.s32 s4, s6;
	[dreg:$0x0] =	wrdreg $0x0  }
0xa9: {  	s6 =	sshll.u32 s28, $0x1;
	[dreg:$0x2] =	wrdreg s4  }
0xaa: {  	[dreg:$0x3] =	wrdreg s6  }
0xab: {  	[dreg:$0x4] =	wrdreg $0xC0  }
0xac: {  	_ =	task [dreg:s8], $0x5FFFF  }
0xad: {  	[dreg:$0x1] =	wrdreg $0xFFFFFFFF  }
0xae: {  	[dreg:$0x0] =	wrdreg $0x60  }
0xaf: {  	[dreg:$0x2] =	wrdreg s2  }
0xb0: {  	[dreg:$0x3] =	wrdreg s18  }
0xb1: {  	[dreg:$0x4] =	wrdreg s24  }
0xb2: {  	[dreg:$0x5] =	wrdreg $0x9  }
0xb3: {  	_ =	task.clear_ibuf [dreg:s8], $0x6FFFF;
	_ =	strace $0x90000046  }
0xb4: {  	s29 =	simm.s32 $0x9;
	_ =	strace $0x80000048  }
0xb5: {  	_ =	swait.ge [sflag:s29], $0x1  }
0xb6: {  	[sflag:s29] =	ssyncadd.s32 $0xFFFFFFFF  }
0xb7: {  	_ =	strace $0x90000048  }
0xb8: {  	_ =	sfence  }
0xb9: {  	s30 =	sld [smem:$0x0];
	_ =	sdelay $0x2  }
0xba: {  	s31 =	sshll.u32 s1, $0xD;
	s1 =	sshrl.u32 s1, $0x2  }
0xbb: {  	s3 =	sand.u32 $0x4000, s31;
	s1 =	sadd.s32 s1, s30  }
0xbc: {  	s0 =	sor.u32 s3, s0;
	s1 =	sshll.u32 s1, $0x11  }
0xbd: {  	s0 =	sor.u32 s1, s0  }
0xbe: {  	s0 =	sadd.s32 $0x8F2B, s0  }
0xbf: {  	[sflag:s0] =	ssyncadd.remote.s32 $0x1  }
0xc0: {  	_ =	sfence.sel $0xFFFF  }
0xc1: {  	[dreg:$0x0] =	wrdreg $0xFFFFFFFF;
	(pc) =	sbr.abs _section_cstart, $3  }
0xc2: {  	[dreg:$0x1] =	wrdreg $0xFFFFFFFF  }
0xc3: {  	_ =	task.clear_ibuf [dreg:s8], $0x2FFFF;
	_ =	strace $0x9FFFFFFF  }
0xc4: {  	(tm) =	ssettm $0x7FFFFFFF  }
0xc5: {  	_ =	shalt  }
tec
execute0_lowered:
.L_overlay_start_1:
0x0: {  	(tag) =	ssettag $0x1  }
0x1: {  	s4 =	rddreg [dreg:$0x0]  }
0x2: {  	s3 =	rddreg [dreg:$0x1]  }
0x3: {  	s5 =	rddreg [dreg:$0x2]  }
0x4: {  	s0 =	rddreg [dreg:$0x3];
	s6 =	srdreg.scid  }
0x5: {  	s2 =	simm.s32 $0x0;
	s1 =	stileid.u32;
	s10 =	simm.s32 $0x40000  }
0x6: {  	s11 =	simm.s32 $0x8000;
	s12 =	simm.s32 $0x0;
	s6 =	sand.u32 $0x1, s6  }
0x7: {  	[smem:$0x7FF] =	sst s2;
	s7 =	sshll.u32 s1, $0xB;
	s8 =	sshll.u32 s6, $0xA  }
0x8: {  	_ =	strace $0x80000047;
	s6 =	ssub.s32 $0x2, s6;
	s7 =	sor.u32 s8, s7  }
0x9: {  	s31 =	sshrl.u32 s6, $0x1;
	s8 =	simm.s32 $0x1;
	s5 =	sadd.s32 s7, s5  }
0xa: {  	s9 =	sshrl.u32 s7, $0x3;
	s6 =	ssub.s32 s6, s31;
	s4 =	sadd.s32 s7, s4  }
0xb: {  	s7 =	simm.s32 $0x10000;
	s3 =	sadd.s32 s3, s9;
	s4 =	sadd.s32 $0x60000, s4  }
0xc: {  	s5 =	sadd.s32 $0x600, s5;
	s6 =	smax.u32 s6, $0x1;
	s9 =	simm.s32 $0x2000  }
.LBB2_1:
0xd: {  	[tilespmem:s7], [sflag:$0x1] =	stream.linear.gather [hbm4b:s3+s2], $0x400, $0x38;
	[tilespmem:$0x10400] =	vst v63  }
0xe: {  	_ =	swait.ge [sflag:s8], $0x400  }
0xf: {  	[sflag:s8] =	ssyncset.done $0x0  }
0x10: {  	[sflag:s8] =	ssyncadd.s32 $0xFFFFFC00  }
0x11: {  	[tilespmem:s2], [sflag:$0x1] =	stream.strided.gather [hbm4b:s4+s9], $0x8000, s10, s9, $0x38;
	[tilespmem:$0x10400] =	vst v63  }
0x12: {  	_ =	swait.ge [sflag:s8], $0x8000  }
0x13: {  	s13 =	simm.s32 $0x0;
	[sflag:s8] =	ssyncset.done $0x0  }
0x14: {  	s14 =	simm.s32 $0x0;
	s15 =	simm.s32 $0x0;
	[sflag:s8] =	ssyncadd.s32 $0xFFFF8000  }
.LBB2_2:
0x15: {  	s16 =	sshll.u32 s14, $0x2;
	s17 =	sand.u32 $0x7, s13;
	s31 =	simm.s32 $0x10040  }
0x16: {  	s16 =	sand.u32 $0xFFFF8000, s16;
	s17 =	sshll.u32 s17, $0x9;
	v0 =	vld [tilespmem:s31+$0x30]  }
0x17: {  	v1 =	vld [tilespmem:s31+$0xFFFFFFD0];
	s16 =	sor.u32 s17, s16  }
0x18: {  	v3 =	vld [tilespmem:s31+$0xFFFFFFE0];
	s18 =	sshrl.u32 s16, $0x2  }
0x19: {  	v4 =	vld [tilespmem:s31+$0xFFFFFFF0];
	s16 =	sor.u32 $0x40, s18  }
0x1a: {  	v2 =	vld [tilespmem:s16+$0x30]  }
0x1b: {  	v5 =	vld [tilespmem:s31+$0x0]  }
0x1c: {  	v6 =	vld [tilespmem:s31+$0x10];
	vm0 =	vlt.f32 v0, $0.0e+00  }
0x1d: {  	v7 =	vld [tilespmem:s31+$0x20];
	vm1 =	vgt.f32 v0, $0.0e+00;
	vm2 =	vlt.f32 v1, $0.0e+00;
	vm3 =	vgt.f32 v1, $0.0e+00  }
0x1e: {  	v8 =	vld [tilespmem:s31+$0xFFFFFFC0];
	vm0 =	vmor vm1, vm0;
	vm5 =	vmor vm3, vm2  }
0x1f: {  	v10 =	vld [tilespmem:s16+$0xFFFFFFC0];
	vm1 =	vgt.f32 v3, $0.0e+00;
	v9 =	vnsel vm0, $0x0, v2;
	vm0 =	vlt.f32 v3, $0.0e+00  }
0x20: {  	vm2 =	vgt.f32 v4, $0.0e+00;
	vm0 =	vmor vm1, vm0;
	vm1 =	vlt.f32 v4, $0.0e+00;
	v4 =	vld [tilespmem:s16+$0xFFFFFFD0]  }
0x21: {  	v0 =	vld [tilespmem:s16+$0xFFFFFFE0];
	vm3 =	vgt.f32 v5, $0.0e+00;
	vm1 =	vmor vm2, vm1;
	vm2 =	vlt.f32 v5, $0.0e+00  }
0x22: {  	vm4 =	vgt.f32 v6, $0.0e+00;
	v1 =	vld [tilespmem:s16+$0xFFFFFFF0];
	vm2 =	vmor vm3, vm2;
	vm3 =	vlt.f32 v6, $0.0e+00  }
0x23: {  	vm6 =	vgt.f32 v8, $0.0e+00;
	v2 =	vld [tilespmem:s16+$0x0];
	vm3 =	vmor vm4, vm3;
	vm4 =	vlt.f32 v8, $0.0e+00  }
0x24: {  	s17 =	sadd.s32 $0x8040, s18;
	vm7 =	vlt.f32 v7, $0.0e+00;
	vm8 =	vgt.f32 v7, $0.0e+00;
	v3 =	vld [tilespmem:s16+$0x10];
	vm6 =	vmor vm6, vm4  }
0x25: {  	s19 =	simm.s32 $0x100C0;
	s18 =	simm.s32 $0x0;
	[tilespmem:s17+$0x30] =	vst v9;
	vm4 =	vmor vm8, vm7;
	v6 =	vnsel vm6, $0x0, v10;
	v5 =	vnsel vm5, $0x0, v4;
	v4 =	vld [tilespmem:s16+$0x20]  }
.LBB2_3:
0x26: {  	v7 =	vld [tilespmem:s19+$0x30];
	s18 =	sadd.s32 $0x8, s18;
	[tilespmem:s17+$0xFFFFFFC0] =	vst v6;
	v0 =	vnsel vm0, $0x0, v0  }
0x27: {  	s16 =	sadd.s32 $0x400, s16;
	v6 =	vld [tilespmem:s19+$0xFFFFFFD0];
	p0 =	slt.u32 s18, $0x38;
	[tilespmem:s17+$0xFFFFFFD0] =	vst v5;
	v1 =	vnsel vm1, $0x0, v1  }
0x28: {  	v5 =	vld [tilespmem:s16+$0x30];
	[tilespmem:s17+$0xFFFFFFE0] =	vst v0;
	v0 =	vnsel vm2, $0x0, v2  }
0x29: {  	v2 =	vld [tilespmem:s19+$0xFFFFFFE0];
	[tilespmem:s17+$0xFFFFFFF0] =	vst v1;
	v1 =	vnsel vm3, $0x0, v3  }
0x2a: {  	v3 =	vld [tilespmem:s19+$0xFFFFFFF0];
	[tilespmem:s17+$0x0] =	vst v0;
	v0 =	vnsel vm4, $0x0, v4  }
0x2b: {  	v4 =	vld [tilespmem:s19+$0x0];
	vm0 =	vlt.f32 v7, $0.0e+00;
	vm1 =	vgt.f32 v7, $0.0e+00;
	[tilespmem:s17+$0x10] =	vst v1  }
0x2c: {  	vm2 =	vlt.f32 v6, $0.0e+00;
	vm3 =	vgt.f32 v6, $0.0e+00;
	v1 =	vld [tilespmem:s19+$0x10];
	vm0 =	vmor vm1, vm0;
	[tilespmem:s17+$0x20] =	vst v0  }
0x2d: {  	s17 =	sadd.s32 $0x400, s17;
	vm5 =	vmor vm3, vm2;
	v6 =	vld [tilespmem:s19+$0x20];
	v0 =	vnsel vm0, $0x0, v5  }
0x2e: {  	v5 =	vld [tilespmem:s19+$0xFFFFFFC0];
	vm0 =	vlt.f32 v2, $0.0e+00;
	vm1 =	vgt.f32 v2, $0.0e+00;
	[tilespmem:s17+$0x30] =	vst v0  }
0x2f: {  	v7 =	vld [tilespmem:s16+$0xFFFFFFC0];
	vm0 =	vmor vm1, vm0;
	vm1 =	vlt.f32 v3, $0.0e+00;
	vm2 =	vgt.f32 v3, $0.0e+00  }
0x30: {  	v8 =	vld [tilespmem:s16+$0xFFFFFFD0];
	vm1 =	vmor vm2, vm1;
	vm2 =	vlt.f32 v4, $0.0e+00;
	vm3 =	vgt.f32 v4, $0.0e+00  }
.Ltmp0:
0x31: {  	v0 =	vld [tilespmem:s16+$0xFFFFFFE0];
	vm2 =	vmor vm3, vm2;
	vm3 =	vlt.f32 v1, $0.0e+00;
	vm4 =	vgt.f32 v1, $0.0e+00;
	(pc) =	sbr.rel @p0 .LBB2_3-.Ltmp0, $4  }
0x32: {  	v1 =	vld [tilespmem:s16+$0xFFFFFFF0];
	vm3 =	vmor vm4, vm3;
	vm4 =	vlt.f32 v6, $0.0e+00;
	vm6 =	vgt.f32 v6, $0.0e+00  }
0x33: {  	vm7 =	vlt.f32 v5, $0.0e+00;
	vm8 =	vgt.f32 v5, $0.0e+00;
	v2 =	vld [tilespmem:s16+$0x0];
	vm4 =	vmor vm6, vm4  }
0x34: {  	vm6 =	vmor vm8, vm7;
	v3 =	vld [tilespmem:s16+$0x10]  }
0x35: {  	s19 =	sadd.s32 $0x80, s19;
	v6 =	vnsel vm6, $0x0, v7;
	v5 =	vnsel vm5, $0x0, v8;
	v4 =	vld [tilespmem:s16+$0x20]  }
0x36: {  	[tilespmem:s17+$0xFFFFFFC0] =	vst v6;
	s15 =	sadd.s32 $0x1, s15  }
0x37: {  	v0 =	vnsel vm0, $0x0, v0;
	[tilespmem:s17+$0xFFFFFFD0] =	vst v5;
	p0 =	sne.s32 s15, $0x20  }
.Ltmp1:
0x38: {  	v1 =	vnsel vm1, $0x0, v1;
	[tilespmem:s17+$0xFFFFFFE0] =	vst v0;
	(pc) =	sbr.rel @p0 .LBB2_2-.Ltmp1, $4  }
0x39: {  	v61 =	vnsel vm2, $0x0, v2;
	[tilespmem:s17+$0xFFFFFFF0] =	vst v1  }
0x3a: {  	v62 =	vnsel vm3, $0x0, v3;
	[tilespmem:s17+$0x0] =	vst v61  }
0x3b: {  	v63 =	vnsel vm4, $0x0, v4;
	[tilespmem:s17+$0x10] =	vst v62  }
0x3c: {  	s14 =	sadd.s32 $0x400, s14;
	s13 =	sadd.s32 $0x1, s13;
	[tilespmem:s17+$0x20] =	vst v63  }
0x3d: {  	s12 =	sadd.s32 $0x1, s12  }
0x3e: {  	p0 =	sne.s32 s12, s6  }
.Ltmp2:
0x3f: {  	_ = 	snop;
	(pc) =	sbr.rel @p0 .LBB2_1-.Ltmp2, $4  }
0x40: {  	[hbm4b:s5+s9] =	stream.strided.scatter [tilespmem:s11], [sflag:$0x1], $0x8000, s10, s9, $0x38;
	[tilespmem:$0x10400] =	vst v63  }
0x41: {  	_ =	swait.ge [sflag:s8], $0x8000  }
0x42: {  	[sflag:s8] =	ssyncset.done $0x0  }
0x43: {  	[sflag:s8] =	ssyncadd.s32 $0xFFFF8000  }
0x44: {  	_ =	sfence.sel $0x180000  }
0x45: {  	[bflag:$0x0] =	sbarrier.arrive $0xFFFF  }
0x46: {  	p0 =	sne.s32 s1, $0x0;
	_ =	strace $0x90000047  }
0x47: {  	s0 =	sadd.s32 @!p0 $0x100000, s0;
	[bflag:$0x2] =	sbarrier.arrive $0xFFFF  }
0x48: {  	[sflag:s0] =	ssyncadd.tile.s32 @!p0 $0x1;
	_ =	shalt  }
.Lfunc_end2:
_tile_overlayer_lowered:
.L_overlay_start_2:
0x49: {  	(tag) =	ssettag $0x2  }
0x4a: {  	s0 =	rddreg [dreg:$0x0];
	s2 =	stileid.u32  }
0x4b: {  	s1 =	rddreg [dreg:$0x1];
	p0 =	sne.s32 s2, $0x0  }
0x4c: {  	s3 =	rddreg [dreg:$0x2];
	[bflag:$0x3] =	sbarrier.arrive $0xFFFF;
	s2 =	simm.s32 @!p0 $0x1C01  }
0x4d: {  	[timem:s3], [sflag:s2] =	dma.local @!p0 [hbm:s0], s1  }
0x4e: {  	s0 =	simm.s32 @!p0 $0x1  }
0x4f: {  	_ =	swait.ge @!p0 [sflag:s0], s1  }
0x50: {  	s1 =	ssub.s32 @!p0 $0x0, s1;
	[sflag:s0] =	ssyncset.done @!p0 $0x0  }
0x51: {  	[sflag:s0] =	ssyncadd.s32 @!p0 s1  }
0x52: {  	[bflag:$0x3] =	sbarrier.arrive $0xFFFF  }
0x53: {  	_ =	shalt  }

</sc_bundles>
